<compile_context>
chip_gen: v7x
topology: tpu7x:2x2x1
jax: 0.10.2.dev20260603
libtpu: 0.0.44.dev20260713+nightly
codegen_flags: <defaults>
</compile_context>

<pallas_src>
import functools

import jax
import jax.numpy as jnp
from jax import lax
from jax.experimental import pallas as pl
from jax.experimental.pallas import tpu as pltpu
from jax.experimental.pallas import tpu_sc as plsc

NC = 2
NS = 16
L = 16
NW = NC * NS
RPW = 32
KP = 16
MW = 3136


def _sc_extract(ids_t, B, S, opbits, tdf_pad, iota16):
    mesh = plsc.VectorSubcoreMesh(core_axis_name="c", subcore_axis_name="s")

    @functools.partial(
        pl.kernel,
        out_type=[
            jax.ShapeDtypeStruct((B, KP), jnp.float32),
            jax.ShapeDtypeStruct((B, KP), jnp.float32),
        ],
        mesh=mesh,
        compiler_params=pltpu.CompilerParams(
            needs_layout_passes=False, use_tc_tiling_on_sc=False),
        scratch_types=[
            pltpu.VMEM((RPW * S,), jnp.int32),
            pltpu.VMEM((MW,), jnp.int32),
            pltpu.VMEM((L,), jnp.int32),
            pltpu.VMEM((RPW, KP), jnp.float32),
            pltpu.VMEM((RPW, KP), jnp.float32),
            pltpu.VMEM((RPW,), jnp.int32),
            pltpu.SemaphoreType.DMA,
        ],
    )
    def sc_kernel(ids_hbm, opbits_hbm, tdf_hbm, iota_hbm, da_hbm, db_hbm,
                  ids_v, mask_v, iota_v, da_v, db_v, st_min, sem):
        wid = lax.axis_index("s") * NC + lax.axis_index("c")
        base = wid * RPW
        pltpu.sync_copy(ids_hbm.at[pl.ds(wid * S * RPW, S * RPW)], ids_v)
        pltpu.sync_copy(opbits_hbm, mask_v)
        pltpu.sync_copy(iota_hbm, iota_v)
        for g in range(RPW // L):
            off = g * L
            sl = pl.ds(off, L)
            st_min[sl] = jnp.full((L,), S, jnp.int32)

            def body(s, c):
                cur = ids_v[pl.ds(s * RPW + off, L)]
                word = plsc.load_gather(
                    mask_v, [lax.shift_right_logical(cur, 5)])
                bit = lax.shift_right_logical(word, cur & 31) & 1
                st_min[sl] = jnp.minimum(
                    st_min[sl], jnp.where(bit != 0, s, S))
                return c

            lax.fori_loop(0, S, body, 0)
            minpos = st_min[sl]
            pos = jnp.where(minpos >= S, 0, minpos)
            lane = iota_v[...] + off
            a_ids = plsc.load_gather(
                ids_v, [jnp.maximum(pos - 1, 0) * RPW + lane])
            b_ids = plsc.load_gather(
                ids_v, [jnp.minimum(pos + 1, S - 1) * RPW + lane])
            pltpu.async_copy(tdf_hbm.at[a_ids], da_v.at[sl], sem).wait()
            pltpu.async_copy(tdf_hbm.at[b_ids], db_v.at[sl], sem).wait()
        pltpu.sync_copy(da_v, da_hbm.at[pl.ds(base, RPW)])
        pltpu.sync_copy(db_v, db_hbm.at[pl.ds(base, RPW)])

    return sc_kernel(ids_t, opbits, tdf_pad, iota16)


def kernel(h, input_ids, attention_mask, is_operator, token_digit_value,
           token_digits_full):
    B, S = input_ids.shape
    Vv, K = token_digits_full.shape
    ids_t = input_ids.reshape(NW, RPW, S).transpose(0, 2, 1).reshape(-1)
    ops = is_operator.astype(jnp.uint32).reshape(-1, 32)
    words = (ops << jnp.arange(32, dtype=jnp.uint32)[None, :]).sum(
        axis=1, dtype=jnp.uint32)
    opbits = lax.bitcast_convert_type(
        jnp.zeros((MW,), jnp.uint32).at[:words.shape[0]].set(words),
        jnp.int32)
    tdf_pad = jnp.pad(token_digits_full, ((0, 0), (0, KP - K)))
    iota16 = jnp.arange(L, dtype=jnp.int32)
    da_flat, db_flat = _sc_extract(ids_t, B, S, opbits, tdf_pad, iota16)
    d_a = jnp.broadcast_to(da_flat[:, None, :K], (B, S, K))
    d_b = jnp.broadcast_to(db_flat[:, None, :K], (B, S, K))
    return (d_a, d_b, d_a, d_b)

# --- scband reference (transcript-rebuilt; emitter-appended) ---
"""Pipeline reference for scband-operand-extractor-24008867185071 (READ-ONLY COPY).

The authoritative reference and input builder live on the scoring server;
editing this copy changes nothing except your own understanding.
"""

import jax, jax.numpy as jnp
import numpy as np

V = 100000  # vocab size of lookup tables
K = 10      # num_digits
B = 1024
S = 200
D = 128


def setup_inputs(seed: int = 0) -> dict:
    key = jax.random.key(seed)
    k1, k2, k3, k4, k5 = jax.random.split(key, 5)
    h = jax.random.normal(k1, (B, S, D), dtype=jnp.float32)
    input_ids = jax.random.randint(k2, (B, S), 0, V)
    attention_mask = jnp.ones((B, S), dtype=jnp.int32)
    # Frozen buffers that build_token_digits_table would create:
    # token_digit_value[V]: -1 for non-digit tokens, 0..9 for digit tokens
    token_digit_value = jax.random.randint(k3, (V,), -1, 10)
    # is_operator[V]: sparse boolean mask of operator tokens (~1% of vocab)
    is_operator = jax.random.uniform(k4, (V,)) < 0.01
    # token_digits_full[V, K]: per-token digit decomposition (GPT-2 style multi-digit tokens)
    token_digits_full = jax.random.randint(k5, (V, K), 0, 10).astype(jnp.float32)
    return {
        "h": h,
        "input_ids": input_ids,
        "attention_mask": attention_mask,
        "is_operator": is_operator,
        "token_digit_value": token_digit_value,
        "token_digits_full": token_digits_full,
    }


def reference(h, input_ids, attention_mask, is_operator, token_digit_value, token_digits_full):
    Bb, Ss = input_ids.shape
    Kk = token_digits_full.shape[1]
    # _find_operator_positions
    ids_clamped = jnp.clip(input_ids, 0, is_operator.shape[0] - 1)
    is_op = is_operator[ids_clamped]
    op_pos = jnp.argmax(is_op.astype(jnp.int32), axis=1)
    # _extract_single_token (self._per_digit == False path)
    a_pos = jnp.maximum(op_pos - 1, 0)
    b_pos = jnp.minimum(op_pos + 1, Ss - 1)
    a_ids = jnp.take_along_axis(input_ids, a_pos[:, None], axis=1)[:, 0]
    b_ids = jnp.take_along_axis(input_ids, b_pos[:, None], axis=1)[:, 0]
    a_clamped = jnp.clip(a_ids, 0, token_digits_full.shape[0] - 1)
    b_clamped = jnp.clip(b_ids, 0, token_digits_full.shape[0] - 1)
    d_a_flat = jnp.take(token_digits_full, a_clamped, axis=0)
    d_b_flat = jnp.take(token_digits_full, b_clamped, axis=0)
    d_a = jnp.broadcast_to(d_a_flat[:, None, :], (Bb, Ss, Kk))
    d_b = jnp.broadcast_to(d_b_flat[:, None, :], (Bb, Ss, Kk))
    return (d_a, d_b, d_a, d_b)

if __name__ == "__main__":
    import jax
    _d = setup_inputs()
    print(jax.jit(kernel)(*tuple(_d.values())))

</pallas_src>

<mosaic_0001>
#map = affine_map<(d0, d1) -> (0)>
#map1 = affine_map<(d0, d1) -> (0, 0)>
module attributes {stable_mosaic.version = 14 : i64} {
  func.func @sc_kernel(%arg0: i32, %arg1: i32, %arg2: memref<204800xi32, #tpu.memory_space<hbm>>, %arg3: memref<3136xi32, #tpu.memory_space<hbm>>, %arg4: memref<100000x16xf32, #tpu.memory_space<hbm>>, %arg5: memref<16xi32, #tpu.memory_space<hbm>>, %arg6: memref<1024x16xf32, #tpu.memory_space<hbm>>, %arg7: memref<1024x16xf32, #tpu.memory_space<hbm>>, %arg8: memref<6400xi32, #tpu.memory_space<vmem>>, %arg9: memref<3136xi32, #tpu.memory_space<vmem>>, %arg10: memref<16xi32, #tpu.memory_space<vmem>>, %arg11: memref<32x16xf32, #tpu.memory_space<vmem>>, %arg12: memref<32x16xf32, #tpu.memory_space<vmem>>, %arg13: memref<32xi32, #tpu.memory_space<vmem>>, %arg14: memref<!tpu.dma_semaphore, #tpu.memory_space<semaphore_mem>>) attributes {dimension_semantics = [#tpu.dimension_semantics<core_parallel>, #tpu.dimension_semantics<subcore_parallel>], iteration_bounds = array<i64: 2, 16>, scalar_prefetch = 0 : i64, scratch_operands = 7 : i64, tpu.core_type = #tpu.core_type<sc_vector_subcore>, window_params = [{transform_indices = #map}, {transform_indices = #map}, {transform_indices = #map1}, {transform_indices = #map}, {transform_indices = #map1}, {transform_indices = #map1}]} {
    %mul3A = arith.constant 2 : i32
    %mul3A_0 = arith.muli %arg1, %mul3A : i32
    %add3A = arith.addi %mul3A_0, %arg0 : i32
    %mul3A_1 = arith.constant 32 : i32
    %mul3A_2 = arith.muli %add3A, %mul3A_1 : i32
    %mul3A_3 = arith.constant 200 : i32
    %mul3A_4 = arith.muli %add3A, %mul3A_3 : i32
    %mul3A_5 = arith.constant 32 : i32
    %mul3A_6 = arith.muli %mul3A_4, %mul3A_5 : i32
    "tpu.region"() ({
      %run_scoped3A = tpu.sem_alloc : memref<!tpu.dma_semaphore, #tpu.memory_space<semaphore_mem>>
      %dma_start3A_132 = tpu.memref_slice %arg2[%mul3A_6] : memref<204800xi32, #tpu.memory_space<hbm>> -> memref<6400xi32, #tpu.memory_space<hbm>>
      %dma_start3A_133 = tpu.memref_slice %arg2[%mul3A_6] : memref<204800xi32, #tpu.memory_space<hbm>> -> memref<6400xi32, #tpu.memory_space<hbm>>
      tpu.enqueue_dma source(%dma_start3A_133 : memref<6400xi32, #tpu.memory_space<hbm>>) target(%arg8 : memref<6400xi32, #tpu.memory_space<vmem>>) target_semaphore(%run_scoped3A : memref<!tpu.dma_semaphore, #tpu.memory_space<semaphore_mem>>)
      %dma_wait3A_134 = tpu.memref_slice %arg2[%mul3A_6] : memref<204800xi32, #tpu.memory_space<hbm>> -> memref<6400xi32, #tpu.memory_space<hbm>>
      %dma_wait3A_135 = tpu.memref_slice %arg2[%mul3A_6] : memref<204800xi32, #tpu.memory_space<hbm>> -> memref<6400xi32, #tpu.memory_space<hbm>>
      tpu.wait_dma2 semaphore(%run_scoped3A : memref<!tpu.dma_semaphore, #tpu.memory_space<semaphore_mem>>) src(%dma_wait3A_135 : memref<6400xi32, #tpu.memory_space<hbm>>) dst(%arg8 : memref<6400xi32, #tpu.memory_space<vmem>>)
      tpu.yield
    }) : () -> ()
    "tpu.region"() ({
      %run_scoped3A = tpu.sem_alloc : memref<!tpu.dma_semaphore, #tpu.memory_space<semaphore_mem>>
      tpu.enqueue_dma source(%arg3 : memref<3136xi32, #tpu.memory_space<hbm>>) target(%arg9 : memref<3136xi32, #tpu.memory_space<vmem>>) target_semaphore(%run_scoped3A : memref<!tpu.dma_semaphore, #tpu.memory_space<semaphore_mem>>)
      tpu.wait_dma2 semaphore(%run_scoped3A : memref<!tpu.dma_semaphore, #tpu.memory_space<semaphore_mem>>) src(%arg3 : memref<3136xi32, #tpu.memory_space<hbm>>) dst(%arg9 : memref<3136xi32, #tpu.memory_space<vmem>>)
      tpu.yield
    }) : () -> ()
    "tpu.region"() ({
      %run_scoped3A = tpu.sem_alloc : memref<!tpu.dma_semaphore, #tpu.memory_space<semaphore_mem>>
      tpu.enqueue_dma source(%arg5 : memref<16xi32, #tpu.memory_space<hbm>>) target(%arg10 : memref<16xi32, #tpu.memory_space<vmem>>) target_semaphore(%run_scoped3A : memref<!tpu.dma_semaphore, #tpu.memory_space<semaphore_mem>>)
      tpu.wait_dma2 semaphore(%run_scoped3A : memref<!tpu.dma_semaphore, #tpu.memory_space<semaphore_mem>>) src(%arg5 : memref<16xi32, #tpu.memory_space<hbm>>) dst(%arg10 : memref<16xi32, #tpu.memory_space<vmem>>)
      tpu.yield
    }) : () -> ()
    %broadcast_in_dim3A = arith.constant 200 : i32
    %broadcast_in_dim3A_7 = vector.broadcast %broadcast_in_dim3A : i32 to vector<16xi32>
    %swap3A = arith.constant 0 : index
    %swap3A_8 = tpu.vector_load %arg13[%swap3A] {strides = array<i32>} : memref<32xi32, #tpu.memory_space<vmem>>, vector<16xi32>,
    tpu.vector_store %arg13[%swap3A], %broadcast_in_dim3A_7 {strides = array<i32>} : memref<32xi32, #tpu.memory_space<vmem>>, vector<16xi32>,
    %scan3A = arith.constant 0 : i32
    %scan3A_9 = arith.constant 0 : i32
    %scan3A_10 = arith.constant 200 : i32
    %scan3A_11 = arith.addi %scan3A_9, %scan3A_10 : i32
    %scan3A_12 = arith.constant 1 : i32
    scf.for %scan3A_132 = %scan3A_9 to %scan3A_11 step %scan3A_12  : i32 {
      %mul3A_133 = arith.constant 32 : i32
      %mul3A_134 = arith.muli %scan3A_132, %mul3A_133 : i32
      %add3A_135 = arith.constant 0 : i32
      %add3A_136 = arith.addi %mul3A_134, %add3A_135 : i32
      %get3A_137 = arith.index_cast %add3A_136 : i32 to index
      %get3A_138 = tpu.vector_load %arg8[%get3A_137] {strides = array<i32>} : memref<6400xi32, #tpu.memory_space<vmem>>, vector<16xi32>,
      %shift_right_logical3A = arith.constant 5 : i32
      %shift_right_logical3A_139 = vector.broadcast %shift_right_logical3A : i32 to vector<16xi32>
      %shift_right_logical3A_140 = arith.shrui %get3A_138, %shift_right_logical3A_139 : vector<16xi32>
      %gather3A_141 = tpu.vector_load_idx %arg9[%shift_right_logical3A_140] : memref<3136xi32, #tpu.memory_space<vmem>>[vector<16xi32>], vector<16xi32>,
      %and3A = arith.constant 31 : i32
      %and3A_142 = vector.broadcast %and3A : i32 to vector<16xi32>
      %and3A_143 = arith.andi %get3A_138, %and3A_142 : vector<16xi32>
      %shift_right_logical3A_144 = arith.shrui %gather3A_141, %and3A_143 : vector<16xi32>
      %and3A_145 = arith.constant 1 : i32
      %and3A_146 = vector.broadcast %and3A_145 : i32 to vector<16xi32>
      %and3A_147 = arith.andi %shift_right_logical3A_144, %and3A_146 : vector<16xi32>
      %get3A_148 = arith.constant 0 : index
      %get3A_149 = tpu.vector_load %arg13[%get3A_148] {strides = array<i32>} : memref<32xi32, #tpu.memory_space<vmem>>, vector<16xi32>,
      %ne3A = arith.constant 0 : i32
      %ne3A_150 = vector.broadcast %ne3A : i32 to vector<16xi32>
      %ne3A_151 = arith.cmpi ne, %and3A_147, %ne3A_150 : vector<16xi32>
      %jit3A_152 = arith.constant 200 : i32
      %broadcast_in_dim3A_153 = vector.broadcast %scan3A_132 : i32 to vector<16xi32>
      %broadcast_in_dim3A_154 = vector.broadcast %jit3A_152 : i32 to vector<16xi32>
      %select_n3A_155 = arith.select %ne3A_151, %broadcast_in_dim3A_153, %broadcast_in_dim3A_154 : vector<16xi1>, vector<16xi32>
      %min3A_156 = arith.minsi %get3A_149, %select_n3A_155 : vector<16xi32>
      %swap3A_157 = arith.constant 0 : index
      %swap3A_158 = tpu.vector_load %arg13[%swap3A_157] {strides = array<i32>} : memref<32xi32, #tpu.memory_space<vmem>>, vector<16xi32>,
      tpu.vector_store %arg13[%swap3A_157], %min3A_156 {strides = array<i32>} : memref<32xi32, #tpu.memory_space<vmem>>, vector<16xi32>,
    }
    %scan3A_13 = arith.constant 200 : i32
    %get3A = arith.constant 0 : index
    %get3A_14 = tpu.vector_load %arg13[%get3A] {strides = array<i32>} : memref<32xi32, #tpu.memory_space<vmem>>, vector<16xi32>,
    %ge3A = arith.constant 200 : i32
    %ge3A_15 = vector.broadcast %ge3A : i32 to vector<16xi32>
    %ge3A_16 = arith.cmpi sge, %get3A_14, %ge3A_15 : vector<16xi32>
    %jit3A = arith.constant 0 : i32
    %broadcast_in_dim3A_17 = vector.broadcast %jit3A : i32 to vector<16xi32>
    %select_n3A = arith.select %ge3A_16, %broadcast_in_dim3A_17, %get3A_14 : vector<16xi1>, vector<16xi32>
    %get3A_18 = arith.constant 0 : index
    %get3A_19 = tpu.vector_load %arg10[%get3A_18] {strides = array<i32>} : memref<16xi32, #tpu.memory_space<vmem>>, vector<16xi32>,
    %add3A_20 = arith.constant 0 : i32
    %add3A_21 = vector.broadcast %add3A_20 : i32 to vector<16xi32>
    %add3A_22 = arith.addi %get3A_19, %add3A_21 : vector<16xi32>
    %sub3A = arith.constant 1 : i32
    %sub3A_23 = vector.broadcast %sub3A : i32 to vector<16xi32>
    %sub3A_24 = arith.subi %select_n3A, %sub3A_23 : vector<16xi32>
    %max3A = arith.constant 0 : i32
    %max3A_25 = vector.broadcast %max3A : i32 to vector<16xi32>
    %max3A_26 = arith.maxsi %sub3A_24, %max3A_25 : vector<16xi32>
    %mul3A_27 = arith.constant 32 : i32
    %mul3A_28 = vector.broadcast %mul3A_27 : i32 to vector<16xi32>
    %mul3A_29 = arith.muli %max3A_26, %mul3A_28 : vector<16xi32>
    %add3A_30 = arith.addi %mul3A_29, %add3A_22 : vector<16xi32>
    %gather3A = tpu.vector_load_idx %arg8[%add3A_30] : memref<6400xi32, #tpu.memory_space<vmem>>[vector<16xi32>], vector<16xi32>,
    %add3A_31 = arith.constant 1 : i32
    %add3A_32 = vector.broadcast %add3A_31 : i32 to vector<16xi32>
    %add3A_33 = arith.addi %select_n3A, %add3A_32 : vector<16xi32>
    %min3A = arith.constant 199 : i32
    %min3A_34 = vector.broadcast %min3A : i32 to vector<16xi32>
    %min3A_35 = arith.minsi %add3A_33, %min3A_34 : vector<16xi32>
    %mul3A_36 = arith.constant 32 : i32
    %mul3A_37 = vector.broadcast %mul3A_36 : i32 to vector<16xi32>
    %mul3A_38 = arith.muli %min3A_35, %mul3A_37 : vector<16xi32>
    %add3A_39 = arith.addi %mul3A_38, %add3A_22 : vector<16xi32>
    %gather3A_40 = tpu.vector_load_idx %arg8[%add3A_39] : memref<6400xi32, #tpu.memory_space<vmem>>[vector<16xi32>], vector<16xi32>,
    %dma_start3A = arith.constant 0 : i32
    %dma_start3A_41 = arith.constant 0 : i32
    %dma_start3A_42 = tpu.memref_slice %arg11[%dma_start3A, %dma_start3A_41] : memref<32x16xf32, #tpu.memory_space<vmem>> -> memref<16x16xf32, #tpu.memory_space<vmem>>
    %dma_start3A_43 = arith.constant 0 : i32
    %dma_start3A_44 = arith.constant 0 : i32
    %dma_start3A_45 = tpu.memref_slice %arg4[%dma_start3A_43, %dma_start3A_44] : memref<100000x16xf32, #tpu.memory_space<hbm>> -> memref<100000x16xf32, #tpu.memory_space<hbm>>
    tpu.enqueue_indirect_dma source(%dma_start3A_45 : memref<100000x16xf32, #tpu.memory_space<hbm>>) target(%dma_start3A_42 : memref<16x16xf32, #tpu.memory_space<vmem>>) offsets(%gather3A : vector<16xi32>) semaphore(%arg14 : memref<!tpu.dma_semaphore, #tpu.memory_space<semaphore_mem>>)
    %dma_wait3A = arith.constant 0 : i32
    %dma_wait3A_46 = arith.constant 0 : i32
    %dma_wait3A_47 = tpu.memref_slice %arg11[%dma_wait3A, %dma_wait3A_46] : memref<32x16xf32, #tpu.memory_space<vmem>> -> memref<16x16xf32, #tpu.memory_space<vmem>>
    %dma_wait3A_48 = arith.constant 0 : i32
    %dma_wait3A_49 = arith.constant 0 : i32
    %dma_wait3A_50 = tpu.memref_slice %arg4[%dma_wait3A_48, %dma_wait3A_49] : memref<100000x16xf32, #tpu.memory_space<hbm>> -> memref<100000x16xf32, #tpu.memory_space<hbm>>
    tpu.wait_indirect_dma semaphore(%arg14 : memref<!tpu.dma_semaphore, #tpu.memory_space<semaphore_mem>>) src(%dma_wait3A_50 : memref<100000x16xf32, #tpu.memory_space<hbm>>) dst(%dma_wait3A_47 : memref<16x16xf32, #tpu.memory_space<vmem>>)
    %dma_start3A_51 = arith.constant 0 : i32
    %dma_start3A_52 = arith.constant 0 : i32
    %dma_start3A_53 = tpu.memref_slice %arg12[%dma_start3A_51, %dma_start3A_52] : memref<32x16xf32, #tpu.memory_space<vmem>> -> memref<16x16xf32, #tpu.memory_space<vmem>>
    %dma_start3A_54 = arith.constant 0 : i32
    %dma_start3A_55 = arith.constant 0 : i32
    %dma_start3A_56 = tpu.memref_slice %arg4[%dma_start3A_54, %dma_start3A_55] : memref<100000x16xf32, #tpu.memory_space<hbm>> -> memref<100000x16xf32, #tpu.memory_space<hbm>>
    tpu.enqueue_indirect_dma source(%dma_start3A_56 : memref<100000x16xf32, #tpu.memory_space<hbm>>) target(%dma_start3A_53 : memref<16x16xf32, #tpu.memory_space<vmem>>) offsets(%gather3A_40 : vector<16xi32>) semaphore(%arg14 : memref<!tpu.dma_semaphore, #tpu.memory_space<semaphore_mem>>)
    %dma_wait3A_57 = arith.constant 0 : i32
    %dma_wait3A_58 = arith.constant 0 : i32
    %dma_wait3A_59 = tpu.memref_slice %arg12[%dma_wait3A_57, %dma_wait3A_58] : memref<32x16xf32, #tpu.memory_space<vmem>> -> memref<16x16xf32, #tpu.memory_space<vmem>>
    %dma_wait3A_60 = arith.constant 0 : i32
    %dma_wait3A_61 = arith.constant 0 : i32
    %dma_wait3A_62 = tpu.memref_slice %arg4[%dma_wait3A_60, %dma_wait3A_61] : memref<100000x16xf32, #tpu.memory_space<hbm>> -> memref<100000x16xf32, #tpu.memory_space<hbm>>
    tpu.wait_indirect_dma semaphore(%arg14 : memref<!tpu.dma_semaphore, #tpu.memory_space<semaphore_mem>>) src(%dma_wait3A_62 : memref<100000x16xf32, #tpu.memory_space<hbm>>) dst(%dma_wait3A_59 : memref<16x16xf32, #tpu.memory_space<vmem>>)
    %broadcast_in_dim3A_63 = arith.constant 200 : i32
    %broadcast_in_dim3A_64 = vector.broadcast %broadcast_in_dim3A_63 : i32 to vector<16xi32>
    %swap3A_65 = arith.constant 16 : index
    %swap3A_66 = tpu.vector_load %arg13[%swap3A_65] {strides = array<i32>} : memref<32xi32, #tpu.memory_space<vmem>>, vector<16xi32>,
    tpu.vector_store %arg13[%swap3A_65], %broadcast_in_dim3A_64 {strides = array<i32>} : memref<32xi32, #tpu.memory_space<vmem>>, vector<16xi32>,
    %scan3A_67 = arith.constant 0 : i32
    %scan3A_68 = arith.constant 0 : i32
    %scan3A_69 = arith.constant 200 : i32
    %scan3A_70 = arith.addi %scan3A_68, %scan3A_69 : i32
    %scan3A_71 = arith.constant 1 : i32
    scf.for %scan3A_132 = %scan3A_68 to %scan3A_70 step %scan3A_71  : i32 {
      %mul3A_133 = arith.constant 32 : i32
      %mul3A_134 = arith.muli %scan3A_132, %mul3A_133 : i32
      %add3A_135 = arith.constant 16 : i32
      %add3A_136 = arith.addi %mul3A_134, %add3A_135 : i32
      %get3A_137 = arith.index_cast %add3A_136 : i32 to index
      %get3A_138 = tpu.vector_load %arg8[%get3A_137] {strides = array<i32>} : memref<6400xi32, #tpu.memory_space<vmem>>, vector<16xi32>,
      %shift_right_logical3A = arith.constant 5 : i32
      %shift_right_logical3A_139 = vector.broadcast %shift_right_logical3A : i32 to vector<16xi32>
      %shift_right_logical3A_140 = arith.shrui %get3A_138, %shift_right_logical3A_139 : vector<16xi32>
      %gather3A_141 = tpu.vector_load_idx %arg9[%shift_right_logical3A_140] : memref<3136xi32, #tpu.memory_space<vmem>>[vector<16xi32>], vector<16xi32>,
      %and3A = arith.constant 31 : i32
      %and3A_142 = vector.broadcast %and3A : i32 to vector<16xi32>
      %and3A_143 = arith.andi %get3A_138, %and3A_142 : vector<16xi32>
      %shift_right_logical3A_144 = arith.shrui %gather3A_141, %and3A_143 : vector<16xi32>
      %and3A_145 = arith.constant 1 : i32
      %and3A_146 = vector.broadcast %and3A_145 : i32 to vector<16xi32>
      %and3A_147 = arith.andi %shift_right_logical3A_144, %and3A_146 : vector<16xi32>
      %get3A_148 = arith.constant 16 : index
      %get3A_149 = tpu.vector_load %arg13[%get3A_148] {strides = array<i32>} : memref<32xi32, #tpu.memory_space<vmem>>, vector<16xi32>,
      %ne3A = arith.constant 0 : i32
      %ne3A_150 = vector.broadcast %ne3A : i32 to vector<16xi32>
      %ne3A_151 = arith.cmpi ne, %and3A_147, %ne3A_150 : vector<16xi32>
      %jit3A_152 = arith.constant 200 : i32
      %broadcast_in_dim3A_153 = vector.broadcast %scan3A_132 : i32 to vector<16xi32>
      %broadcast_in_dim3A_154 = vector.broadcast %jit3A_152 : i32 to vector<16xi32>
      %select_n3A_155 = arith.select %ne3A_151, %broadcast_in_dim3A_153, %broadcast_in_dim3A_154 : vector<16xi1>, vector<16xi32>
      %min3A_156 = arith.minsi %get3A_149, %select_n3A_155 : vector<16xi32>
      %swap3A_157 = arith.constant 16 : index
      %swap3A_158 = tpu.vector_load %arg13[%swap3A_157] {strides = array<i32>} : memref<32xi32, #tpu.memory_space<vmem>>, vector<16xi32>,
      tpu.vector_store %arg13[%swap3A_157], %min3A_156 {strides = array<i32>} : memref<32xi32, #tpu.memory_space<vmem>>, vector<16xi32>,
    }
    %scan3A_72 = arith.constant 200 : i32
    %get3A_73 = arith.constant 16 : index
    %get3A_74 = tpu.vector_load %arg13[%get3A_73] {strides = array<i32>} : memref<32xi32, #tpu.memory_space<vmem>>, vector<16xi32>,
    %ge3A_75 = arith.constant 200 : i32
    %ge3A_76 = vector.broadcast %ge3A_75 : i32 to vector<16xi32>
    %ge3A_77 = arith.cmpi sge, %get3A_74, %ge3A_76 : vector<16xi32>
    %jit3A_78 = arith.constant 0 : i32
    %broadcast_in_dim3A_79 = vector.broadcast %jit3A_78 : i32 to vector<16xi32>
    %select_n3A_80 = arith.select %ge3A_77, %broadcast_in_dim3A_79, %get3A_74 : vector<16xi1>, vector<16xi32>
    %get3A_81 = arith.constant 0 : index
    %get3A_82 = tpu.vector_load %arg10[%get3A_81] {strides = array<i32>} : memref<16xi32, #tpu.memory_space<vmem>>, vector<16xi32>,
    %add3A_83 = arith.constant 16 : i32
    %add3A_84 = vector.broadcast %add3A_83 : i32 to vector<16xi32>
    %add3A_85 = arith.addi %get3A_82, %add3A_84 : vector<16xi32>
    %sub3A_86 = arith.constant 1 : i32
    %sub3A_87 = vector.broadcast %sub3A_86 : i32 to vector<16xi32>
    %sub3A_88 = arith.subi %select_n3A_80, %sub3A_87 : vector<16xi32>
    %max3A_89 = arith.constant 0 : i32
    %max3A_90 = vector.broadcast %max3A_89 : i32 to vector<16xi32>
    %max3A_91 = arith.maxsi %sub3A_88, %max3A_90 : vector<16xi32>
    %mul3A_92 = arith.constant 32 : i32
    %mul3A_93 = vector.broadcast %mul3A_92 : i32 to vector<16xi32>
    %mul3A_94 = arith.muli %max3A_91, %mul3A_93 : vector<16xi32>
    %add3A_95 = arith.addi %mul3A_94, %add3A_85 : vector<16xi32>
    %gather3A_96 = tpu.vector_load_idx %arg8[%add3A_95] : memref<6400xi32, #tpu.memory_space<vmem>>[vector<16xi32>], vector<16xi32>,
    %add3A_97 = arith.constant 1 : i32
    %add3A_98 = vector.broadcast %add3A_97 : i32 to vector<16xi32>
    %add3A_99 = arith.addi %select_n3A_80, %add3A_98 : vector<16xi32>
    %min3A_100 = arith.constant 199 : i32
    %min3A_101 = vector.broadcast %min3A_100 : i32 to vector<16xi32>
    %min3A_102 = arith.minsi %add3A_99, %min3A_101 : vector<16xi32>
    %mul3A_103 = arith.constant 32 : i32
    %mul3A_104 = vector.broadcast %mul3A_103 : i32 to vector<16xi32>
    %mul3A_105 = arith.muli %min3A_102, %mul3A_104 : vector<16xi32>
    %add3A_106 = arith.addi %mul3A_105, %add3A_85 : vector<16xi32>
    %gather3A_107 = tpu.vector_load_idx %arg8[%add3A_106] : memref<6400xi32, #tpu.memory_space<vmem>>[vector<16xi32>], vector<16xi32>,
    %dma_start3A_108 = arith.constant 16 : i32
    %dma_start3A_109 = arith.constant 0 : i32
    %dma_start3A_110 = tpu.memref_slice %arg11[%dma_start3A_108, %dma_start3A_109] : memref<32x16xf32, #tpu.memory_space<vmem>> -> memref<16x16xf32, #tpu.memory_space<vmem>>
    %dma_start3A_111 = arith.constant 0 : i32
    %dma_start3A_112 = arith.constant 0 : i32
    %dma_start3A_113 = tpu.memref_slice %arg4[%dma_start3A_111, %dma_start3A_112] : memref<100000x16xf32, #tpu.memory_space<hbm>> -> memref<100000x16xf32, #tpu.memory_space<hbm>>
    tpu.enqueue_indirect_dma source(%dma_start3A_113 : memref<100000x16xf32, #tpu.memory_space<hbm>>) target(%dma_start3A_110 : memref<16x16xf32, #tpu.memory_space<vmem>>) offsets(%gather3A_96 : vector<16xi32>) semaphore(%arg14 : memref<!tpu.dma_semaphore, #tpu.memory_space<semaphore_mem>>)
    %dma_wait3A_114 = arith.constant 16 : i32
    %dma_wait3A_115 = arith.constant 0 : i32
    %dma_wait3A_116 = tpu.memref_slice %arg11[%dma_wait3A_114, %dma_wait3A_115] : memref<32x16xf32, #tpu.memory_space<vmem>> -> memref<16x16xf32, #tpu.memory_space<vmem>>
    %dma_wait3A_117 = arith.constant 0 : i32
    %dma_wait3A_118 = arith.constant 0 : i32
    %dma_wait3A_119 = tpu.memref_slice %arg4[%dma_wait3A_117, %dma_wait3A_118] : memref<100000x16xf32, #tpu.memory_space<hbm>> -> memref<100000x16xf32, #tpu.memory_space<hbm>>
    tpu.wait_indirect_dma semaphore(%arg14 : memref<!tpu.dma_semaphore, #tpu.memory_space<semaphore_mem>>) src(%dma_wait3A_119 : memref<100000x16xf32, #tpu.memory_space<hbm>>) dst(%dma_wait3A_116 : memref<16x16xf32, #tpu.memory_space<vmem>>)
    %dma_start3A_120 = arith.constant 16 : i32
    %dma_start3A_121 = arith.constant 0 : i32
    %dma_start3A_122 = tpu.memref_slice %arg12[%dma_start3A_120, %dma_start3A_121] : memref<32x16xf32, #tpu.memory_space<vmem>> -> memref<16x16xf32, #tpu.memory_space<vmem>>
    %dma_start3A_123 = arith.constant 0 : i32
    %dma_start3A_124 = arith.constant 0 : i32
    %dma_start3A_125 = tpu.memref_slice %arg4[%dma_start3A_123, %dma_start3A_124] : memref<100000x16xf32, #tpu.memory_space<hbm>> -> memref<100000x16xf32, #tpu.memory_space<hbm>>
    tpu.enqueue_indirect_dma source(%dma_start3A_125 : memref<100000x16xf32, #tpu.memory_space<hbm>>) target(%dma_start3A_122 : memref<16x16xf32, #tpu.memory_space<vmem>>) offsets(%gather3A_107 : vector<16xi32>) semaphore(%arg14 : memref<!tpu.dma_semaphore, #tpu.memory_space<semaphore_mem>>)
    %dma_wait3A_126 = arith.constant 16 : i32
    %dma_wait3A_127 = arith.constant 0 : i32
    %dma_wait3A_128 = tpu.memref_slice %arg12[%dma_wait3A_126, %dma_wait3A_127] : memref<32x16xf32, #tpu.memory_space<vmem>> -> memref<16x16xf32, #tpu.memory_space<vmem>>
    %dma_wait3A_129 = arith.constant 0 : i32
    %dma_wait3A_130 = arith.constant 0 : i32
    %dma_wait3A_131 = tpu.memref_slice %arg4[%dma_wait3A_129, %dma_wait3A_130] : memref<100000x16xf32, #tpu.memory_space<hbm>> -> memref<100000x16xf32, #tpu.memory_space<hbm>>
    tpu.wait_indirect_dma semaphore(%arg14 : memref<!tpu.dma_semaphore, #tpu.memory_space<semaphore_mem>>) src(%dma_wait3A_131 : memref<100000x16xf32, #tpu.memory_space<hbm>>) dst(%dma_wait3A_128 : memref<16x16xf32, #tpu.memory_space<vmem>>)
    "tpu.region"() ({
      %run_scoped3A = tpu.sem_alloc : memref<!tpu.dma_semaphore, #tpu.memory_space<semaphore_mem>>
      %dma_start3A_132 = arith.constant 0 : i32
      %dma_start3A_133 = tpu.memref_slice %arg6[%mul3A_2, %dma_start3A_132] : memref<1024x16xf32, #tpu.memory_space<hbm>> -> memref<32x16xf32, #tpu.memory_space<hbm>>
      %dma_start3A_134 = arith.constant 0 : i32
      %dma_start3A_135 = tpu.memref_slice %arg6[%mul3A_2, %dma_start3A_134] : memref<1024x16xf32, #tpu.memory_space<hbm>> -> memref<32x16xf32, #tpu.memory_space<hbm>>
      tpu.enqueue_dma source(%arg11 : memref<32x16xf32, #tpu.memory_space<vmem>>) target(%dma_start3A_135 : memref<32x16xf32, #tpu.memory_space<hbm>>) target_semaphore(%run_scoped3A : memref<!tpu.dma_semaphore, #tpu.memory_space<semaphore_mem>>)
      %dma_wait3A_136 = arith.constant 0 : i32
      %dma_wait3A_137 = tpu.memref_slice %arg6[%mul3A_2, %dma_wait3A_136] : memref<1024x16xf32, #tpu.memory_space<hbm>> -> memref<32x16xf32, #tpu.memory_space<hbm>>
      %dma_wait3A_138 = arith.constant 0 : i32
      %dma_wait3A_139 = tpu.memref_slice %arg6[%mul3A_2, %dma_wait3A_138] : memref<1024x16xf32, #tpu.memory_space<hbm>> -> memref<32x16xf32, #tpu.memory_space<hbm>>
      tpu.wait_dma2 semaphore(%run_scoped3A : memref<!tpu.dma_semaphore, #tpu.memory_space<semaphore_mem>>) src(%arg11 : memref<32x16xf32, #tpu.memory_space<vmem>>) dst(%dma_wait3A_139 : memref<32x16xf32, #tpu.memory_space<hbm>>)
      tpu.yield
    }) : () -> ()
    "tpu.region"() ({
      %run_scoped3A = tpu.sem_alloc : memref<!tpu.dma_semaphore, #tpu.memory_space<semaphore_mem>>
      %dma_start3A_132 = arith.constant 0 : i32
      %dma_start3A_133 = tpu.memref_slice %arg7[%mul3A_2, %dma_start3A_132] : memref<1024x16xf32, #tpu.memory_space<hbm>> -> memref<32x16xf32, #tpu.memory_space<hbm>>
      %dma_start3A_134 = arith.constant 0 : i32
      %dma_start3A_135 = tpu.memref_slice %arg7[%mul3A_2, %dma_start3A_134] : memref<1024x16xf32, #tpu.memory_space<hbm>> -> memref<32x16xf32, #tpu.memory_space<hbm>>
      tpu.enqueue_dma source(%arg12 : memref<32x16xf32, #tpu.memory_space<vmem>>) target(%dma_start3A_135 : memref<32x16xf32, #tpu.memory_space<hbm>>) target_semaphore(%run_scoped3A : memref<!tpu.dma_semaphore, #tpu.memory_space<semaphore_mem>>)
      %dma_wait3A_136 = arith.constant 0 : i32
      %dma_wait3A_137 = tpu.memref_slice %arg7[%mul3A_2, %dma_wait3A_136] : memref<1024x16xf32, #tpu.memory_space<hbm>> -> memref<32x16xf32, #tpu.memory_space<hbm>>
      %dma_wait3A_138 = arith.constant 0 : i32
      %dma_wait3A_139 = tpu.memref_slice %arg7[%mul3A_2, %dma_wait3A_138] : memref<1024x16xf32, #tpu.memory_space<hbm>> -> memref<32x16xf32, #tpu.memory_space<hbm>>
      tpu.wait_dma2 semaphore(%run_scoped3A : memref<!tpu.dma_semaphore, #tpu.memory_space<semaphore_mem>>) src(%arg12 : memref<32x16xf32, #tpu.memory_space<vmem>>) dst(%dma_wait3A_139 : memref<32x16xf32, #tpu.memory_space<hbm>>)
      tpu.yield
    }) : () -> ()
    return
  }
}

</mosaic_0001>

<sc_bundles>
// kernel: kernel.3.cloned.1.call-start
scs
__scs_entry_jumppad:
0x0: {  	(pc) =	sbr.rel $0x88, $3  }
0x1: {  	(tag) =	ssettag $0x0;
	lr =	simm.s32 $0x1  }
0x2: {  	[smem:$0x3F9E] =	sst lr;
	_ =	strace $0xD0000000  }
0x3: {  	_ = 	snop  }
0x4: {  	_ = 	snop  }
0x5: {  	_ = 	snop  }
0x6: {  	_ = 	snop  }
0x7: {  	_ = 	snop  }
__scs_overlays_trampoline_lowered:
0x8: {  	[smem:$0x3FAD] =	sst s0  }
0x9: {  	[smem:$0x3FAE] =	sst s1  }
0xa: {  	[smem:$0x3FAF] =	sst s2  }
0xb: {  	[smem:$0x3FB0] =	sst s3  }
0xc: {  	[smem:$0x3FB1] =	sst s4  }
0xd: {  	[smem:$0x3FB2] =	sst s5  }
0xe: {  	[smem:$0x3FB3] =	sst s6  }
0xf: {  	[smem:$0x3FB4] =	sst s7  }
0x10: {  	[smem:$0x3FB5] =	sst s8  }
0x11: {  	[smem:$0x3FB6] =	sst s9;
	s0 =	simm.s32 @!p0 $0x0  }
0x12: {  	s1 =	sld [smem:$0x3F9C];
	s0 =	simm.s32 @p0 $0x1  }
0x13: {  	[smem:$0x3FB7] =	sst s0;
	s0 =	simm.s32 @!p1 $0x0  }
0x14: {  	s2 =	sld [smem:$0x3F9B];
	s0 =	simm.s32 @p1 $0x1  }
0x15: {  	[smem:$0x3FB8] =	sst s0;
	s0 =	simm.s32 @!p2 $0x0  }
0x16: {  	s3 =	sld [smem:$0x3FDB];
	s0 =	simm.s32 @p2 $0x1  }
0x17: {  	s4 =	simm.s32 $0x1BF5;
	[smem:$0x3FBA] =	sst s0  }
0x18: {  	s0 =	sld [smem:$0x3F9D];
	_ =	swait.ge [sflag:s4], $0x0  }
0x19: {  	s7 =	sld [smem:$0x3F9E]  }
0x1a: {  	s8 =	sadd.s32 $0xFFFFE003, lr  }
0x1b: {  	s9 =	sadd.s32 $0xFFFFFEF7, lr;
	s5 =	simm.s32 $0xFFFFFFFF;
	p2 =	slt.u32 s8, $0xFFFFF086  }
0x1c: {  	p1 =	slt.u32 s9, $0xF7A;
	s5 =	simm.s32 @!p2 $0x0  }
0x1d: {  	s5 =	simm.s32 @p1 $0x1;
	p0 =	seq.s32 s7, s2  }
0x1e: {  	s7 =	smul.u32 @!p0 $0xF7A, s2;
	p2 =	seq.s32 @!p0 s5, $0x0  }
0x1f: {  	s9 =	smul.u32 $0xF7A, s1;
	s8 =	simm.s32 @!p0 $0x1BF5;
	p2 =	por !p2, p0  }
0x20: {  	[sflag:s8] =	ssyncset.s32 @!p0 $0xFFFFF086;
	s6 =	sadd.s32 @!p0 s3, s7;
	s7 =	simm.s32 @!p0 $0x108  }
0x21: {  	s3 =	sadd.s32 s3, s9;
	s6 =	sadd.s32 @!p0 $0x88, s6;
	s7 =	simm.s32 @p2 $0x1082  }
0x22: {  	[simem:s7], [sflag:s8] =	dma.local @!p0 [hbm:s6], $0xF7A  }
0x23: {  	s9 =	sor.u32 $0xD0000000, s2;
	s6 =	simm.s32 $0x108;
	_ =	swait.ge @!p0 [sflag:s8], $0x0  }
0x24: {  	s3 =	sadd.s32 $0x88, s3;
	s6 =	simm.s32 @!p1 $0x1082;
	[sflag:s4] =	ssyncset.s32 $0xFFFFF086  }
0x25: {  	[simem:s6], [sflag:s4] =	dma.local [hbm:s3], $0xF7A  }
0x26: {  	[smem:$0x3F9E] =	sst s1;
	(tag) =	ssettag s2;
	_ =	strace s9  }
0x27: {  	s1 =	sld [smem:$0x3FAE]  }
0x28: {  	s2 =	sld [smem:$0x3FAF]  }
0x29: {  	s4 =	sld [smem:$0x3FB1]  }
0x2a: {  	p0 =	seq.s32 s5, $0x0;
	s5 =	sld [smem:$0x3FB2]  }
0x2b: {  	s6 =	sld [smem:$0x3FB3]  }
0x2c: {  	s7 =	sld [smem:$0x3FB4]  }
0x2d: {  	s3 =	simm.s32 $0x108;
	s8 =	sld [smem:$0x3FB5]  }
0x2e: {  	s3 =	simm.s32 @!p0 $0x1082;
	s9 =	sld [smem:$0x3FB6]  }
0x2f: {  	lr =	sadd.s32 s0, s3;
	s0 =	sld [smem:$0x3FAD]  }
0x30: {  	s3 =	sld [smem:$0x3FB0]  }
0x31: {  	[smem:$0x3FB9] =	sst s10  }
0x32: {  	s10 =	sld [smem:$0x3FB7];
	_ =	sdelay $0x3  }
0x33: {  	p0 =	seq.s32 s10, $0x1;
	s10 =	sld [smem:$0x3FB9];
	_ =	sdelay $0x3  }
0x34: {  	[smem:$0x3FB9] =	sst s10  }
0x35: {  	s10 =	sld [smem:$0x3FB8];
	_ =	sdelay $0x3  }
0x36: {  	p1 =	seq.s32 s10, $0x1;
	s10 =	sld [smem:$0x3FB9];
	_ =	sdelay $0x3  }
0x37: {  	[smem:$0x3FB9] =	sst s10  }
0x38: {  	s10 =	sld [smem:$0x3FBA]  }
0x39: {  	_ = 	snop;
	(pc) =	sbr.ind lr, $3  }
0x3a: {  	_ = 	snop  }
0x3b: {  	_ = 	snop  }
0x3c: {  	p2 =	seq.s32 s10, $0x1;
	s10 =	sld [smem:$0x3FB9]  }
0x3d: {  	_ =	shalt  }
0x3e: {  	_ =	shalt  }
0x3f: {  	_ =	shalt  }
0x40: {  	_ =	shalt  }
0x41: {  	_ =	shalt  }
0x42: {  	_ =	shalt  }
0x43: {  	_ =	shalt  }
0x44: {  	_ =	shalt  }
0x45: {  	_ =	shalt  }
0x46: {  	_ =	shalt  }
0x47: {  	_ =	shalt  }
0x48: {  	_ =	shalt  }
0x49: {  	_ =	shalt  }
0x4a: {  	_ =	shalt  }
0x4b: {  	_ =	shalt  }
0x4c: {  	_ =	shalt  }
0x4d: {  	_ =	shalt  }
0x4e: {  	_ =	shalt  }
0x4f: {  	_ =	shalt  }
0x50: {  	_ =	shalt  }
0x51: {  	_ =	shalt  }
0x52: {  	_ =	shalt  }
0x53: {  	_ =	shalt  }
0x54: {  	_ =	shalt  }
0x55: {  	_ =	shalt  }
0x56: {  	_ =	shalt  }
0x57: {  	_ =	shalt  }
0x58: {  	_ =	shalt  }
0x59: {  	_ =	shalt  }
0x5a: {  	_ =	shalt  }
0x5b: {  	_ =	shalt  }
0x5c: {  	_ =	shalt  }
0x5d: {  	_ =	shalt  }
0x5e: {  	_ =	shalt  }
0x5f: {  	_ =	shalt  }
0x60: {  	_ =	shalt  }
0x61: {  	_ =	shalt  }
0x62: {  	_ =	shalt  }
0x63: {  	_ =	shalt  }
0x64: {  	_ =	shalt  }
0x65: {  	_ =	shalt  }
0x66: {  	_ =	shalt  }
0x67: {  	_ =	shalt  }
0x68: {  	_ =	shalt  }
0x69: {  	_ =	shalt  }
0x6a: {  	_ =	shalt  }
0x6b: {  	_ =	shalt  }
0x6c: {  	_ =	shalt  }
0x6d: {  	_ =	shalt  }
0x6e: {  	_ =	shalt  }
0x6f: {  	_ =	shalt  }
0x70: {  	_ =	shalt  }
0x71: {  	_ =	shalt  }
0x72: {  	_ =	shalt  }
0x73: {  	_ =	shalt  }
0x74: {  	_ =	shalt  }
0x75: {  	_ =	shalt  }
0x76: {  	_ =	shalt  }
0x77: {  	_ =	shalt  }
0x78: {  	_ =	shalt  }
0x79: {  	_ =	shalt  }
0x7a: {  	_ =	shalt  }
0x7b: {  	_ =	shalt  }
0x7c: {  	_ =	shalt  }
0x7d: {  	_ =	shalt  }
0x7e: {  	_ =	shalt  }
0x7f: {  	_ =	shalt  }
0x80: {  	_ =	shalt  }
0x81: {  	_ =	shalt  }
0x82: {  	_ =	shalt  }
0x83: {  	_ =	shalt  }
0x84: {  	_ =	shalt  }
0x85: {  	_ =	shalt  }
0x86: {  	_ =	shalt  }
0x87: {  	_ =	shalt  }
.Lfunc_end0:
.L_simem_size_0:
called_computation_lowered:
.L_overlay_start_0:
0x88: {  	s2 =	sld [smem:$0x3FD9]  }
0x89: {  	s3 =	sld [smem:$0x3FFE];
	_ =	sdelay $0x1  }
0x8a: {  	s1 =	srdreg.scid  }
0x8b: {  	s0 =	sand.u32 $0x1, s1  }
0x8c: {  	s14 =	sshll.u32 s0, $0xA;
	s2 =	sadd.s32 s3, s2  }
0x8d: {  	s2 =	sadd.s32 s2, s14  }
0x8e: {  	[smem:$0x3FC5] =	sst s2  }
0x8f: {  	_ = 	snop  }
0x90: {  	s2 =	sld [smem:$0x3FD0];
	_ =	sdelay $0x2  }
0x91: {  	s15 =	simm.s32 $0xA;
	s4 =	simm.s32 $0x10  }
0x92: {  	[smem:s4], [sflag:s15] =	dma.local [hbm:s2], $0x1  }
0x93: {  	_ =	swait.eq [sflag:s15], $0x1  }
0x94: {  	s16 =	sld [smem:$0x10]  }
0x95: {  	s17 =	sld [smem:$0x11];
	[sflag:s15] =	ssyncset.done $0x0  }
0x96: {  	s5 =	sld [smem:$0x12];
	[sflag:s15] =	ssyncadd.s32 $0xFFFFFFFF  }
0x97: {  	s18 =	sld [smem:$0x13];
	(tm) =	ssettm $0x1  }
0x98: {  	s6 =	sld [smem:$0x3FFB];
	_ =	sdelay $0x3  }
0x99: {  	_ =	strace s6  }
0x9a: {  	s6 =	sld [smem:$0x3FFC];
	_ =	sdelay $0x3  }
0x9b: {  	_ =	strace s6  }
0x9c: {  	s6 =	sld [smem:$0x3FFD];
	_ =	sdelay $0x3  }
0x9d: {  	_ =	strace s6  }
0x9e: {  	_ =	strace $0x8FFFFFFF  }
0x9f: {  	s19 =	sld [smem:$0x3FDB];
	_ =	sdelay $0x1  }
0xa0: {  	s7 =	simm.s32 $_scs_section_size  }
0xa1: {  	s8 =	simm.s32 $_size__tile_overlayer_lowered;
	s9 =	simm.s32 $_tile_overlayer_lowered  }
0xa2: {  	s22 =	simm.s32 $0x1BFF;
	s21 =	sshll.u32 s9, $0x1;
	s6 =	sadd.s32 s7, s19  }
0xa3: {  	s10 =	simm.s32 $0x0;
	s20 =	sshll.u32 s8, $0x1;
	s8 =	sadd.s32 s21, s6  }
0xa4: {  	[timem:s10], [sflag:s22] =	dma.local [hbm:s8], s20  }
0xa5: {  	_ =	swait.ge [sflag:s22], s20  }
0xa6: {  	s7 =	ssub.s32 $0x0, s20;
	[sflag:s22] =	ssyncset.done $0x0  }
0xa7: {  	[sflag:s22] =	ssyncadd.s32 s7;
	_ =	sdelay $0x1  }
0xa8: {  	s23 =	simm.s32 $0x1B8B  }
0xa9: {  	_ =	swait.ge [sflag:s23], $0x1  }
0xaa: {  	[sflag:s23] =	ssyncset.done $0x0  }
0xab: {  	s25 =	simm.s32 $0x1B8E;
	s24 =	sld [smem:$0x3FFE];
	[sflag:s23] =	ssyncadd.s32 $0xFFFFFFFF  }
0xac: {  	s26 =	simm.s32 $execute0_lowered;
	[smem:$0x3FD2] =	sst s25  }
0xad: {  	s8 =	sshll.u32 s26, $0x1;
	_ =	strace $0x80000046;
	[dreg:$0x1] =	wrdreg $0xFFFFFFFF  }
0xae: {  	s28 =	simm.s32 $_size_execute0_lowered;
	s6 =	sadd.s32 s6, s8;
	[dreg:$0x0] =	wrdreg $0x0  }
0xaf: {  	s8 =	sshll.u32 s28, $0x1;
	[dreg:$0x2] =	wrdreg s6  }
0xb0: {  	[dreg:$0x3] =	wrdreg s8  }
0xb1: {  	[dreg:$0x4] =	wrdreg $0xC0  }
0xb2: {  	_ =	task [dreg:s10], $0x5FFFF  }
0xb3: {  	[dreg:$0x1] =	wrdreg $0xFFFFFFFF  }
0xb4: {  	[dreg:$0x0] =	wrdreg $0x60  }
0xb5: {  	[dreg:$0x2] =	wrdreg s5  }
0xb6: {  	[dreg:$0x3] =	wrdreg s24  }
0xb7: {  	[dreg:$0x4] =	wrdreg s18  }
0xb8: {  	[dreg:$0x5] =	wrdreg s17  }
0xb9: {  	[dreg:$0x6] =	wrdreg s16  }
0xba: {  	[dreg:$0x7] =	wrdreg $0x9  }
0xbb: {  	_ =	task.clear_ibuf [dreg:s10], $0x8FFFF;
	_ =	strace $0x90000046  }
0xbc: {  	s29 =	simm.s32 $0x9;
	_ =	strace $0x80000048  }
0xbd: {  	_ =	swait.ge [sflag:s29], $0x1  }
0xbe: {  	[sflag:s29] =	ssyncadd.s32 $0xFFFFFFFF  }
0xbf: {  	_ =	strace $0x90000048  }
0xc0: {  	_ =	sfence  }
0xc1: {  	s30 =	sld [smem:$0x0];
	_ =	sdelay $0x2  }
0xc2: {  	s31 =	sshll.u32 s1, $0xD;
	s1 =	sshrl.u32 s1, $0x2  }
0xc3: {  	s3 =	sand.u32 $0x4000, s31;
	s1 =	sadd.s32 s1, s30  }
0xc4: {  	s0 =	sor.u32 s3, s0;
	s1 =	sshll.u32 s1, $0x11  }
0xc5: {  	s0 =	sor.u32 s1, s0  }
0xc6: {  	s0 =	sadd.s32 $0x8F2B, s0  }
0xc7: {  	[sflag:s0] =	ssyncadd.remote.s32 $0x1  }
0xc8: {  	_ =	sfence.sel $0xFFFF  }
0xc9: {  	[dreg:$0x0] =	wrdreg $0xFFFFFFFF;
	(pc) =	sbr.abs _section_cstart, $3  }
0xca: {  	[dreg:$0x1] =	wrdreg $0xFFFFFFFF  }
0xcb: {  	_ =	task.clear_ibuf [dreg:s10], $0x2FFFF;
	_ =	strace $0x9FFFFFFF  }
0xcc: {  	(tm) =	ssettm $0x7FFFFFFF  }
0xcd: {  	_ =	shalt  }
tec
execute0_lowered:
.L_overlay_start_1:
0x0: {  	(tag) =	ssettag $0x1  }
0x1: {  	s6 =	rddreg [dreg:$0x0]  }
0x2: {  	s5 =	rddreg [dreg:$0x1]  }
0x3: {  	s1 =	rddreg [dreg:$0x2]  }
0x4: {  	s7 =	rddreg [dreg:$0x3]  }
0x5: {  	s8 =	rddreg [dreg:$0x4]  }
0x6: {  	s0 =	rddreg [dreg:$0x5];
	s4 =	srdreg.scid  }
0x7: {  	s2 =	stileid.u32;
	s3 =	simm.s32 $0x0;
	s13 =	simm.s32 $0x2550  }
0x8: {  	s14 =	simm.s32 $0x1;
	s15 =	simm.s32 $0x2750;
	s16 =	simm.s32 $0x2650  }
0x9: {  	s17 =	simm.s32 $0x2850;
	s4 =	sand.u32 $0x1, s4;
	s9 =	sshll.u32 s2, $0x1  }
0xa: {  	s18 =	simm.s32 $0x0;
	[smem:$0x7FF] =	sst s3;
	s9 =	sor.u32 s4, s9  }
0xb: {  	_ =	strace $0x80000047;
	s10 =	ssub.s32 $0x2, s4;
	s4 =	sadd.s32 $0x800, s5  }
0xc: {  	s11 =	smul.u32 $0x320, s9;
	s12 =	sshrl.u32 s10, $0x1;
	s9 =	sshll.u32 s9, $0x6  }
0xd: {  	s5 =	sadd.s32 $0xA00, s5;
	s10 =	ssub.s32 s10, s12;
	s7 =	sadd.s32 s7, s9  }
0xe: {  	s8 =	sadd.s32 s8, s9;
	s12 =	simm.s32 $0x2540;
	s6 =	sadd.s32 s6, s11  }
0xf: {  	vm0 =	vmmov $0xffff;
	s9 =	smax.u32 s10, $0x1;
	s10 =	simm.s32 $0x2;
	s11 =	simm.s32 $0x1900  }
.LBB2_1:
0x10: {  	[tilespmem:s3], [sflag:$0x2] =	stream.linear.gather [hbm4b:s6+s3], $0x1900, $0x38;
	[tilespmem:$0x2970] =	vst v63  }
0x11: {  	_ =	swait.ge [sflag:s10], $0x1900  }
0x12: {  	[sflag:s10] =	ssyncset.done $0x0  }
0x13: {  	[sflag:s10] =	ssyncadd.s32 $0xFFFFE700  }
0x14: {  	[tilespmem:s11], [sflag:$0x2] =	stream.linear.gather [hbm4b:s4+s3], $0xC40, $0x38;
	[tilespmem:$0x2970] =	vst v63  }
0x15: {  	_ =	swait.ge [sflag:s10], $0xC40  }
0x16: {  	[sflag:s10] =	ssyncset.done $0x0  }
0x17: {  	[sflag:s10] =	ssyncadd.s32 $0xFFFFF3C0  }
0x18: {  	[tilespmem:s12], [sflag:$0x2] =	stream.linear.gather [hbm4b:s5+s3], $0x10, $0x38;
	[tilespmem:$0x2970] =	vst v63  }
0x19: {  	_ =	swait.ge [sflag:s10], $0x10  }
0x1a: {  	[sflag:s10] =	ssyncset.done $0x0  }
0x1b: {  	v0 =	vimm.s32 $0xC8;
	[sflag:s10] =	ssyncadd.s32 $0xFFFFFFF0  }
0x1c: {  	[tilespmem:$0x2950] =	vst v0  }
0x1d: {  	s20 =	simm.s32 $0x1;
	s19 =	simm.s32 $0x0;
	s21 =	simm.s32 $0x0;
	v1 =	vld [tilespmem:s3+$0x0]  }
.LBB2_2:
0x1e: {  	p0 =	sne.s32 s20, $0xC7;
	_ =	sdelay $0x3  }
0x1f: {  	v2 =	vshrl.u32 v1, $0x5;
	_ =	sdelay $0x4  }
0x20: {  	v2 =	vld.idx.msk [tilespmem:v2+s11+$0x0], $0xffff;
	_ =	sdelay $0x4  }
0x21: {  	v1 =	vand.u32 $0x1F, v1  }
0x22: {  	v1 =	vshrl.u32 v2, v1  }
0x23: {  	v1 =	vand.u32 $0x1, v1  }
0x24: {  	vm1 =	veq.s32 v1, $0x0;
	v1 =	vmov s19;
	s19 =	smov.u32 s20  }
.Ltmp0:
0x25: {  	v1 =	vsel vm1, $0xC8, v1;
	(pc) =	sbr.rel @p0 .LBB2_2-.Ltmp0, $4  }
0x26: {  	vm1 =	vlt.s32 v0, v1  }
0x27: {  	v0 =	vsel vm1, v0, v1  }
0x28: {  	s21 =	sadd.s32 $0x20, s21;
	[tilespmem:$0x2950] =	vst v0  }
0x29: {  	s20 =	sadd.s32 $0x1, s20;
	v1 =	vld [tilespmem:s21+$0x0]  }
0x2a: {  	_ =	sdelay $0x3  }
0x2b: {  	v2 =	vshrl.u32 v1, $0x5;
	_ =	sdelay $0x4  }
0x2c: {  	v2 =	vld.idx.msk [tilespmem:v2+s11+$0x0], $0xffff;
	_ =	sdelay $0x3  }
0x2d: {  	v1 =	vand.u32 $0x1F, v1  }
0x2e: {  	v1 =	vshrl.u32 v2, v1  }
0x2f: {  	v1 =	vand.u32 $0x1, v1  }
0x30: {  	vm1 =	veq.s32 v1, $0x0;
	v1 =	vmov s19  }
0x31: {  	v1 =	vsel vm1, $0xC8, v1  }
0x32: {  	vm1 =	vlt.s32 v0, v1  }
0x33: {  	v0 =	vsel vm1, v0, v1  }
0x34: {  	vm1 =	vgt.s32 v0, $0xC7  }
0x35: {  	v2 =	vld [tilespmem:$0x2540];
	v1 =	vsel vm1, $0x0, v0  }
0x36: {  	v3 =	vadd.s32 $0xFFFFFFFF, v1  }
0x37: {  	vm1 =	vgt.s32 v3, $0x0  }
0x38: {  	v3 =	vnsel vm1, $0x0, v3  }
0x39: {  	v3 =	vshll.u32 v3, $0x5  }
0x3a: {  	vm1 =	vlt.s32 v1, $0xC6;
	v3 =	vadd.s32 v2, v3  }
0x3b: {  	v1 =	vnsel vm1, $0xC6, v1  }
0x3c: {  	v1 =	vshll.u32 v1, $0x5  }
0x3d: {  	v1 =	vadd.s32 v2, v1  }
0x3e: {  	s19 =	simm.s32 $0x0;
	[tilespmem:$0x2950] =	vst v0;
	v0 =	vadd.s32 $0x20, v1  }
0x3f: {  	v1 =	vld.idx.msk [tilespmem:v3+s19+$0x0], $0xffff;
	_ =	sdelay $0x3  }
0x40: {  	v0 =	vld.idx.msk [tilespmem:v0+s19+$0x0], $0xffff;
	_ =	sdelay $0x3  }
0x41: {  	[tilespmem:s13], [sflag:$0x1] =	stream.indirect_vreg.gather [hbm4b:s1+s19], $0x10, v1, vm0, $0xb8;
	[tilespmem:$0x2970] =	vst v63  }
0x42: {  	_ =	swait.ge [sflag:s14], $0x100  }
0x43: {  	[sflag:s14] =	ssyncset.done $0x0  }
0x44: {  	[sflag:s14] =	ssyncadd.s32 $0xFFFFFF00  }
0x45: {  	[tilespmem:s15], [sflag:$0x1] =	stream.indirect_vreg.gather [hbm4b:s1+s19], $0x10, v0, vm0, $0xb8;
	[tilespmem:$0x2970] =	vst v63  }
0x46: {  	_ =	swait.ge [sflag:s14], $0x100  }
0x47: {  	[sflag:s14] =	ssyncset.done $0x0  }
0x48: {  	v0 =	vimm.s32 $0xC8;
	[sflag:s14] =	ssyncadd.s32 $0xFFFFFF00  }
0x49: {  	s20 =	simm.s32 $0x10;
	[tilespmem:$0x2960] =	vst v0  }
0x4a: {  	s21 =	simm.s32 $0x1;
	v1 =	vld [tilespmem:s20+$0x0]  }
.LBB2_4:
0x4b: {  	p0 =	sne.s32 s21, $0xC7;
	_ =	sdelay $0x3  }
0x4c: {  	v2 =	vshrl.u32 v1, $0x5;
	_ =	sdelay $0x4  }
0x4d: {  	v2 =	vld.idx.msk [tilespmem:v2+s11+$0x0], $0xffff;
	_ =	sdelay $0x4  }
0x4e: {  	v1 =	vand.u32 $0x1F, v1  }
0x4f: {  	v1 =	vshrl.u32 v2, v1  }
0x50: {  	v1 =	vand.u32 $0x1, v1  }
0x51: {  	vm1 =	veq.s32 v1, $0x0;
	v1 =	vmov s19;
	s19 =	smov.u32 s21  }
.Ltmp1:
0x52: {  	v1 =	vsel vm1, $0xC8, v1;
	(pc) =	sbr.rel @p0 .LBB2_4-.Ltmp1, $4  }
0x53: {  	vm1 =	vlt.s32 v0, v1  }
0x54: {  	v0 =	vsel vm1, v0, v1  }
0x55: {  	s20 =	sadd.s32 $0x20, s20;
	[tilespmem:$0x2960] =	vst v0  }
0x56: {  	s21 =	sadd.s32 $0x1, s21;
	v1 =	vld [tilespmem:s20+$0x0]  }
0x57: {  	_ =	sdelay $0x3  }
0x58: {  	v2 =	vshrl.u32 v1, $0x5;
	_ =	sdelay $0x4  }
0x59: {  	v2 =	vld.idx.msk [tilespmem:v2+s11+$0x0], $0xffff;
	_ =	sdelay $0x3  }
0x5a: {  	v58 =	vand.u32 $0x1F, v1  }
0x5b: {  	v1 =	vshrl.u32 v2, v58  }
0x5c: {  	v1 =	vand.u32 $0x1, v1  }
0x5d: {  	v59 =	vmov s19;
	vm1 =	veq.s32 v1, $0x0  }
0x5e: {  	v1 =	vsel vm1, $0xC8, v59  }
0x5f: {  	vm1 =	vlt.s32 v0, v1  }
0x60: {  	v0 =	vsel vm1, v0, v1  }
0x61: {  	v60 =	vld [tilespmem:$0x2540];
	vm1 =	vgt.s32 v0, $0xC7  }
0x62: {  	v61 =	vsel vm1, $0x0, v0  }
0x63: {  	v3 =	vadd.s32 $0xFFFFFFFF, v61  }
0x64: {  	vm1 =	vgt.s32 v3, $0x0  }
0x65: {  	v3 =	vnsel vm1, $0x0, v3  }
0x66: {  	v4 =	vadd.s32 $0x10, v60;
	v3 =	vshll.u32 v3, $0x5  }
0x67: {  	vm1 =	vlt.s32 v61, $0xC6;
	v3 =	vadd.s32 v4, v3  }
0x68: {  	v1 =	vand.u32 $0x7, v60;
	v2 =	vnsel vm1, $0xC6, v61;
	v3 =	vand.u32 $0xFFFFFFF8, v3  }
0x69: {  	v2 =	vshll.u32 v2, $0x5;
	v3 =	vor.u32 v1, v3  }
0x6a: {  	v2 =	vadd.s32 v4, v2  }
0x6b: {  	v2 =	vadd.s32 $0x20, v2  }
0x6c: {  	v2 =	vand.u32 $0xFFFFFFF8, v2  }
0x6d: {  	[tilespmem:$0x2960] =	vst v0;
	v62 =	vor.u32 v1, v2  }
0x6e: {  	v63 =	vld.idx.msk [tilespmem:v3+s3+$0x0], $0xffff;
	_ =	sdelay $0x3  }
0x6f: {  	v0 =	vld.idx.msk [tilespmem:v62+s3+$0x0], $0xffff;
	_ =	sdelay $0x3  }
0x70: {  	[tilespmem:s16], [sflag:$0x1] =	stream.indirect_vreg.gather [hbm4b:s1+s3], $0x10, v63, vm0, $0xb8;
	[tilespmem:$0x2970] =	vst v63  }
0x71: {  	_ =	swait.ge [sflag:s14], $0x100  }
0x72: {  	[sflag:s14] =	ssyncset.done $0x0  }
0x73: {  	[sflag:s14] =	ssyncadd.s32 $0xFFFFFF00  }
0x74: {  	[tilespmem:s17], [sflag:$0x1] =	stream.indirect_vreg.gather [hbm4b:s1+s3], $0x10, v0, vm0, $0xb8;
	[tilespmem:$0x2970] =	vst v63  }
0x75: {  	_ =	swait.ge [sflag:s14], $0x100  }
0x76: {  	[sflag:s14] =	ssyncset.done $0x0  }
0x77: {  	[sflag:s14] =	ssyncadd.s32 $0xFFFFFF00  }
0x78: {  	[hbm4b:s7+s3] =	stream.linear.scatter [tilespmem:s13], [sflag:$0x2], $0x200, $0x38;
	[tilespmem:$0x2970] =	vst v63  }
0x79: {  	s18 =	sadd.s32 $0x1, s18;
	_ =	swait.ge [sflag:s10], $0x200  }
0x7a: {  	p0 =	sne.s32 s18, s9;
	[sflag:s10] =	ssyncset.done $0x0  }
.Ltmp2:
0x7b: {  	[sflag:s10] =	ssyncadd.s32 $0xFFFFFE00;
	(pc) =	sbr.rel @p0 .LBB2_1-.Ltmp2, $4  }
0x7c: {  	[hbm4b:s8+s3] =	stream.linear.scatter [tilespmem:s15], [sflag:$0x2], $0x200, $0x38;
	[tilespmem:$0x2970] =	vst v63  }
0x7d: {  	_ =	swait.ge [sflag:s10], $0x200  }
0x7e: {  	[sflag:s10] =	ssyncset.done $0x0  }
0x7f: {  	[sflag:s10] =	ssyncadd.s32 $0xFFFFFE00  }
0x80: {  	_ =	sfence.sel $0x180000  }
0x81: {  	[bflag:$0x0] =	sbarrier.arrive $0xFFFF  }
0x82: {  	p0 =	sne.s32 s2, $0x0;
	_ =	strace $0x90000047  }
0x83: {  	s0 =	sadd.s32 @!p0 $0x100000, s0;
	[bflag:$0x2] =	sbarrier.arrive $0xFFFF  }
0x84: {  	[sflag:s0] =	ssyncadd.tile.s32 @!p0 $0x1;
	_ =	shalt  }
.Lfunc_end2:
_tile_overlayer_lowered:
.L_overlay_start_2:
0x85: {  	(tag) =	ssettag $0x2  }
0x86: {  	s0 =	rddreg [dreg:$0x0];
	s2 =	stileid.u32  }
0x87: {  	s1 =	rddreg [dreg:$0x1];
	p0 =	sne.s32 s2, $0x0  }
0x88: {  	s3 =	rddreg [dreg:$0x2];
	[bflag:$0x3] =	sbarrier.arrive $0xFFFF;
	s2 =	simm.s32 @!p0 $0x1C02  }
0x89: {  	[timem:s3], [sflag:s2] =	dma.local @!p0 [hbm:s0], s1  }
0x8a: {  	s0 =	simm.s32 @!p0 $0x2  }
0x8b: {  	_ =	swait.ge @!p0 [sflag:s0], s1  }
0x8c: {  	s1 =	ssub.s32 @!p0 $0x0, s1;
	[sflag:s0] =	ssyncset.done @!p0 $0x0  }
0x8d: {  	[sflag:s0] =	ssyncadd.s32 @!p0 s1  }
0x8e: {  	[bflag:$0x3] =	sbarrier.arrive $0xFFFF  }
0x8f: {  	_ =	shalt  }

</sc_bundles>
